<compile_context>
chip_gen: v7x
topology: tpu7x:2x2x1
jax: 0.10.2.dev20260603
libtpu: 0.0.44.dev20260713+nightly
codegen_flags: <defaults>
</compile_context>

<pallas_src>
import functools

import jax
import jax.numpy as jnp
from jax import lax
from jax.experimental import pallas as pl
from jax.experimental.pallas import tpu as pltpu
from jax.experimental.pallas import tpu_sc as plsc


def _build_gather(B, D, CH, num_cores, num_subcores):
    b_per_w = B // (num_cores * num_subcores)
    ch_per_w = b_per_w // CH
    n_pairs = ch_per_w // 2
    PR = 2 * CH
    mesh = plsc.VectorSubcoreMesh(core_axis_name="c", subcore_axis_name="s")

    @functools.partial(
        pl.kernel,
        mesh=mesh,
        out_type=jax.ShapeDtypeStruct((B, D), jnp.float32),
        scratch_types=[
            pltpu.VMEM((ch_per_w, CH), jnp.int32),
            pltpu.VMEM((PR, D), jnp.float32),
            pltpu.VMEM((PR, D), jnp.float32),
        ]
        + [pltpu.SemaphoreType.DMA for _ in range(4)],
    )
    def run(table_hbm, idx_hbm, out_hbm, idx_v, slot0, slot1, g0, g1, s0, s1):
        slots = (slot0, slot1)
        gsem = (g0, g1)
        ssem = (s0, s1)
        wid = lax.axis_index("s") * num_cores + lax.axis_index("c")
        base = wid * b_per_w
        pltpu.sync_copy(idx_hbm.at[pl.ds(wid * ch_per_w, ch_per_w)], idx_v)

        def gathers(p, s):
            for h in range(2):
                pltpu.async_copy(
                    table_hbm.at[idx_v.at[2 * p + h]],
                    slots[s].at[pl.ds(h * CH, CH)],
                    gsem[s],
                )

        def gathers_wait(p, s):
            for h in range(2):
                pltpu.make_async_copy(
                    table_hbm.at[idx_v.at[2 * p + h]],
                    slots[s].at[pl.ds(h * CH, CH)],
                    gsem[s],
                ).wait()

        def scatter(p, s):
            pltpu.async_copy(slots[s], out_hbm.at[pl.ds(base + p * PR, PR)], ssem[s])

        def scatter_wait(p, s):
            pltpu.make_async_copy(
                slots[s], out_hbm.at[pl.ds(base + p * PR, PR)], ssem[s]
            ).wait()

        gathers(0, 0)

        def body(j, carry):
            for s in range(2):
                p = 2 * j + s
                o = 1 - s

                @pl.when(p >= 1)
                def _():
                    scatter_wait(p - 1, o)

                @pl.when(p + 1 < n_pairs)
                def _():
                    gathers(p + 1, o)

                gathers_wait(p, s)
                scatter(p, s)
            return carry

        lax.fori_loop(0, n_pairs // 2, body, 0)
        scatter_wait(n_pairs - 1, (n_pairs - 1) % 2)

    return run


def kernel(source, weight):
    SEQ, BATCH, NF = source.shape
    V, D = weight.shape
    B = SEQ * BATCH * NF
    idx = source.reshape(B).astype(jnp.int32)

    info = plsc.get_sparse_core_info()
    CH = 128
    idx2 = idx.reshape(B // CH, CH)

    run = _build_gather(B, D, CH, info.num_cores, info.num_subcores)
    out = run(weight, idx2)
    return out.reshape(SEQ, BATCH, D)

# --- scband reference (transcript-rebuilt; emitter-appended) ---
"""Pipeline reference for scband-embeddings-71038759076052 (READ-ONLY COPY).

The authoritative reference and input builder live on the scoring server;
editing this copy changes nothing except your own understanding.
"""

import jax, jax.numpy as jnp
import numpy as np

VOCAB = 1000000
DIM = 128
PAD = 0
SEQ = 200
BATCH = 4096

def setup_inputs(seed: int = 0) -> dict:
    key = jax.random.key(seed)
    k1, k2 = jax.random.split(key)
    source = jax.random.randint(k1, (SEQ, BATCH, 1), 0, VOCAB)
    # nn.Embedding default init: N(0, 1); padding_idx row zeroed at init
    weight = jax.random.normal(k2, (VOCAB, DIM), dtype=jnp.float32)
    weight = weight.at[PAD].set(0.0)
    return {"source": source, "weight": weight}

def reference(source, weight):
    # Elementwise: split source along last dim (nfeat=1), squeeze, lookup each table.
    # With a single feature and merge='concat', output is just the word embedding.
    inputs_ = [source[:, :, i] for i in range(source.shape[2])]
    tables = [weight]
    outputs = [jnp.take(t, x, axis=0) for t, x in zip(tables, inputs_)]
    # merge == 'concat' along dim 2
    out = jnp.concatenate(outputs, axis=2)
    return out

if __name__ == "__main__":
    import jax
    _d = setup_inputs()
    print(jax.jit(kernel)(*tuple(_d.values())))

</pallas_src>

<mosaic_0001>
#map = affine_map<(d0, d1) -> (0, 0)>
module attributes {stable_mosaic.version = 14 : i64} {
  func.func @run(%arg0: i32, %arg1: i32, %arg2: memref<1000000x128xf32, #tpu.memory_space<hbm>>, %arg3: memref<6400x128xi32, #tpu.memory_space<hbm>>, %arg4: memref<819200x128xf32, #tpu.memory_space<hbm>>, %arg5: memref<200x128xi32, #tpu.memory_space<vmem>>, %arg6: memref<256x128xf32, #tpu.memory_space<vmem>>, %arg7: memref<256x128xf32, #tpu.memory_space<vmem>>, %arg8: memref<!tpu.dma_semaphore, #tpu.memory_space<semaphore_mem>>, %arg9: memref<!tpu.dma_semaphore, #tpu.memory_space<semaphore_mem>>, %arg10: memref<!tpu.dma_semaphore, #tpu.memory_space<semaphore_mem>>, %arg11: memref<!tpu.dma_semaphore, #tpu.memory_space<semaphore_mem>>) attributes {dimension_semantics = [#tpu.dimension_semantics<core_parallel>, #tpu.dimension_semantics<subcore_parallel>], iteration_bounds = array<i64: 2, 16>, scalar_prefetch = 0 : i64, scratch_operands = 7 : i64, tpu.core_type = #tpu.core_type<sc_vector_subcore>, window_params = [{transform_indices = #map}, {transform_indices = #map}, {transform_indices = #map}]} {
    %mul3A = arith.constant 2 : i32
    %mul3A_0 = arith.muli %arg1, %mul3A : i32
    %add3A = arith.addi %mul3A_0, %arg0 : i32
    %mul3A_1 = arith.constant 25600 : i32
    %mul3A_2 = arith.muli %add3A, %mul3A_1 : i32
    %mul3A_3 = arith.constant 200 : i32
    %mul3A_4 = arith.muli %add3A, %mul3A_3 : i32
    "tpu.region"() ({
      %run_scoped3A = tpu.sem_alloc : memref<!tpu.dma_semaphore, #tpu.memory_space<semaphore_mem>>
      %dma_start3A_34 = arith.constant 0 : i32
      %dma_start3A_35 = tpu.memref_slice %arg3[%mul3A_4, %dma_start3A_34] : memref<6400x128xi32, #tpu.memory_space<hbm>> -> memref<200x128xi32, #tpu.memory_space<hbm>>
      %dma_start3A_36 = arith.constant 0 : i32
      %dma_start3A_37 = tpu.memref_slice %arg3[%mul3A_4, %dma_start3A_36] : memref<6400x128xi32, #tpu.memory_space<hbm>> -> memref<200x128xi32, #tpu.memory_space<hbm>>
      tpu.enqueue_dma source(%dma_start3A_37 : memref<200x128xi32, #tpu.memory_space<hbm>>) target(%arg5 : memref<200x128xi32, #tpu.memory_space<vmem>>) target_semaphore(%run_scoped3A : memref<!tpu.dma_semaphore, #tpu.memory_space<semaphore_mem>>)
      %dma_wait3A_38 = arith.constant 0 : i32
      %dma_wait3A_39 = tpu.memref_slice %arg3[%mul3A_4, %dma_wait3A_38] : memref<6400x128xi32, #tpu.memory_space<hbm>> -> memref<200x128xi32, #tpu.memory_space<hbm>>
      %dma_wait3A_40 = arith.constant 0 : i32
      %dma_wait3A_41 = tpu.memref_slice %arg3[%mul3A_4, %dma_wait3A_40] : memref<6400x128xi32, #tpu.memory_space<hbm>> -> memref<200x128xi32, #tpu.memory_space<hbm>>
      tpu.wait_dma2 semaphore(%run_scoped3A : memref<!tpu.dma_semaphore, #tpu.memory_space<semaphore_mem>>) src(%dma_wait3A_41 : memref<200x128xi32, #tpu.memory_space<hbm>>) dst(%arg5 : memref<200x128xi32, #tpu.memory_space<vmem>>)
      tpu.yield
    }) : () -> ()
    %dma_start3A = arith.constant 0 : i32
    %dma_start3A_5 = arith.constant 0 : i32
    %dma_start3A_6 = arith.constant 0 : i32
    %dma_start3A_7 = tpu.memref_slice %arg6[%dma_start3A_5, %dma_start3A_6] : memref<256x128xf32, #tpu.memory_space<vmem>> -> memref<128x128xf32, #tpu.memory_space<vmem>>
    %dma_start3A_8 = arith.constant 0 : i32
    %dma_start3A_9 = tpu.memref_slice %arg5[%dma_start3A, %dma_start3A_8] : memref<200x128xi32, #tpu.memory_space<vmem>> -> memref<1x128xi32, #tpu.memory_space<vmem>>
    %dma_start3A_10 = tpu.memref_squeeze %dma_start3A_9 : memref<1x128xi32, #tpu.memory_space<vmem>> -> memref<128xi32, #tpu.memory_space<vmem>>
    %dma_start3A_11 = arith.constant 0 : i32
    %dma_start3A_12 = arith.constant 0 : i32
    %dma_start3A_13 = tpu.memref_slice %arg2[%dma_start3A_11, %dma_start3A_12] : memref<1000000x128xf32, #tpu.memory_space<hbm>> -> memref<1000000x128xf32, #tpu.memory_space<hbm>>
    tpu.enqueue_indirect_dma source(%dma_start3A_13 : memref<1000000x128xf32, #tpu.memory_space<hbm>>) target(%dma_start3A_7 : memref<128x128xf32, #tpu.memory_space<vmem>>) offsets(%dma_start3A_10 : memref<128xi32, #tpu.memory_space<vmem>>) semaphore(%arg8 : memref<!tpu.dma_semaphore, #tpu.memory_space<semaphore_mem>>)
    %dma_start3A_14 = arith.constant 1 : i32
    %dma_start3A_15 = arith.constant 128 : i32
    %dma_start3A_16 = arith.constant 0 : i32
    %dma_start3A_17 = tpu.memref_slice %arg6[%dma_start3A_15, %dma_start3A_16] : memref<256x128xf32, #tpu.memory_space<vmem>> -> memref<128x128xf32, #tpu.memory_space<vmem>>
    %dma_start3A_18 = arith.constant 0 : i32
    %dma_start3A_19 = tpu.memref_slice %arg5[%dma_start3A_14, %dma_start3A_18] : memref<200x128xi32, #tpu.memory_space<vmem>> -> memref<1x128xi32, #tpu.memory_space<vmem>>
    %dma_start3A_20 = tpu.memref_squeeze %dma_start3A_19 : memref<1x128xi32, #tpu.memory_space<vmem>> -> memref<128xi32, #tpu.memory_space<vmem>>
    %dma_start3A_21 = arith.constant 0 : i32
    %dma_start3A_22 = arith.constant 0 : i32
    %dma_start3A_23 = tpu.memref_slice %arg2[%dma_start3A_21, %dma_start3A_22] : memref<1000000x128xf32, #tpu.memory_space<hbm>> -> memref<1000000x128xf32, #tpu.memory_space<hbm>>
    tpu.enqueue_indirect_dma source(%dma_start3A_23 : memref<1000000x128xf32, #tpu.memory_space<hbm>>) target(%dma_start3A_17 : memref<128x128xf32, #tpu.memory_space<vmem>>) offsets(%dma_start3A_20 : memref<128xi32, #tpu.memory_space<vmem>>) semaphore(%arg8 : memref<!tpu.dma_semaphore, #tpu.memory_space<semaphore_mem>>)
    %scan3A = arith.constant 0 : i32
    %scan3A_24 = arith.constant 0 : i32
    %scan3A_25 = arith.constant 50 : i32
    %scan3A_26 = arith.addi %scan3A_24, %scan3A_25 : i32
    %scan3A_27 = arith.constant 1 : i32
    scf.for %scan3A_34 = %scan3A_24 to %scan3A_26 step %scan3A_27  : i32 {
      %mul3A_35 = arith.constant 2 : i32
      %mul3A_36 = arith.muli %mul3A_35, %scan3A_34 : i32
      %add3A_37 = arith.constant 0 : i32
      %add3A_38 = arith.addi %mul3A_36, %add3A_37 : i32
      %ge3A = arith.constant 1 : i32
      %ge3A_39 = arith.cmpi sge, %add3A_38, %ge3A : i32
      %convert_element_type3A = arith.extui %ge3A_39 : i1 to i32
      %cond3A = arith.constant 0 : i32
      %cond3A_40 = arith.cmpi ne, %convert_element_type3A, %cond3A : i32
      scf.if %cond3A_40 {
        %sub3A = arith.constant 1 : i32
        %sub3A_129 = arith.subi %add3A_38, %sub3A : i32
        %mul3A_130 = arith.constant 256 : i32
        %mul3A_131 = arith.muli %sub3A_129, %mul3A_130 : i32
        %add3A_132 = arith.addi %mul3A_2, %mul3A_131 : i32
        %dma_wait3A_133 = arith.constant 0 : i32
        %dma_wait3A_134 = tpu.memref_slice %arg4[%add3A_132, %dma_wait3A_133] : memref<819200x128xf32, #tpu.memory_space<hbm>> -> memref<256x128xf32, #tpu.memory_space<hbm>>
        %dma_wait3A_135 = arith.constant 0 : i32
        %dma_wait3A_136 = tpu.memref_slice %arg4[%add3A_132, %dma_wait3A_135] : memref<819200x128xf32, #tpu.memory_space<hbm>> -> memref<256x128xf32, #tpu.memory_space<hbm>>
        tpu.wait_dma2 semaphore(%arg11 : memref<!tpu.dma_semaphore, #tpu.memory_space<semaphore_mem>>) src(%arg7 : memref<256x128xf32, #tpu.memory_space<vmem>>) dst(%dma_wait3A_136 : memref<256x128xf32, #tpu.memory_space<hbm>>)
      } else {
      }
      %add3A_41 = arith.constant 1 : i32
      %add3A_42 = arith.addi %add3A_38, %add3A_41 : i32
      %lt3A = arith.constant 100 : i32
      %lt3A_43 = arith.cmpi slt, %add3A_42, %lt3A : i32
      %convert_element_type3A_44 = arith.extui %lt3A_43 : i1 to i32
      %cond3A_45 = arith.constant 0 : i32
      %cond3A_46 = arith.cmpi ne, %convert_element_type3A_44, %cond3A_45 : i32
      scf.if %cond3A_46 {
        %add3A_129 = arith.constant 1 : i32
        %add3A_130 = arith.addi %add3A_38, %add3A_129 : i32
        %mul3A_131 = arith.constant 2 : i32
        %mul3A_132 = arith.muli %mul3A_131, %add3A_130 : i32
        %add3A_133 = arith.constant 0 : i32
        %add3A_134 = arith.addi %mul3A_132, %add3A_133 : i32
        %dma_start3A_135 = arith.constant 0 : i32
        %dma_start3A_136 = arith.constant 0 : i32
        %dma_start3A_137 = tpu.memref_slice %arg7[%dma_start3A_135, %dma_start3A_136] : memref<256x128xf32, #tpu.memory_space<vmem>> -> memref<128x128xf32, #tpu.memory_space<vmem>>
        %dma_start3A_138 = arith.constant 0 : i32
        %dma_start3A_139 = tpu.memref_slice %arg5[%add3A_134, %dma_start3A_138] : memref<200x128xi32, #tpu.memory_space<vmem>> -> memref<1x128xi32, #tpu.memory_space<vmem>>
        %dma_start3A_140 = tpu.memref_squeeze %dma_start3A_139 : memref<1x128xi32, #tpu.memory_space<vmem>> -> memref<128xi32, #tpu.memory_space<vmem>>
        %dma_start3A_141 = arith.constant 0 : i32
        %dma_start3A_142 = arith.constant 0 : i32
        %dma_start3A_143 = tpu.memref_slice %arg2[%dma_start3A_141, %dma_start3A_142] : memref<1000000x128xf32, #tpu.memory_space<hbm>> -> memref<1000000x128xf32, #tpu.memory_space<hbm>>
        tpu.enqueue_indirect_dma source(%dma_start3A_143 : memref<1000000x128xf32, #tpu.memory_space<hbm>>) target(%dma_start3A_137 : memref<128x128xf32, #tpu.memory_space<vmem>>) offsets(%dma_start3A_140 : memref<128xi32, #tpu.memory_space<vmem>>) semaphore(%arg9 : memref<!tpu.dma_semaphore, #tpu.memory_space<semaphore_mem>>)
        %mul3A_144 = arith.constant 2 : i32
        %mul3A_145 = arith.muli %mul3A_144, %add3A_130 : i32
        %add3A_146 = arith.constant 1 : i32
        %add3A_147 = arith.addi %mul3A_145, %add3A_146 : i32
        %dma_start3A_148 = arith.constant 128 : i32
        %dma_start3A_149 = arith.constant 0 : i32
        %dma_start3A_150 = tpu.memref_slice %arg7[%dma_start3A_148, %dma_start3A_149] : memref<256x128xf32, #tpu.memory_space<vmem>> -> memref<128x128xf32, #tpu.memory_space<vmem>>
        %dma_start3A_151 = arith.constant 0 : i32
        %dma_start3A_152 = tpu.memref_slice %arg5[%add3A_147, %dma_start3A_151] : memref<200x128xi32, #tpu.memory_space<vmem>> -> memref<1x128xi32, #tpu.memory_space<vmem>>
        %dma_start3A_153 = tpu.memref_squeeze %dma_start3A_152 : memref<1x128xi32, #tpu.memory_space<vmem>> -> memref<128xi32, #tpu.memory_space<vmem>>
        %dma_start3A_154 = arith.constant 0 : i32
        %dma_start3A_155 = arith.constant 0 : i32
        %dma_start3A_156 = tpu.memref_slice %arg2[%dma_start3A_154, %dma_start3A_155] : memref<1000000x128xf32, #tpu.memory_space<hbm>> -> memref<1000000x128xf32, #tpu.memory_space<hbm>>
        tpu.enqueue_indirect_dma source(%dma_start3A_156 : memref<1000000x128xf32, #tpu.memory_space<hbm>>) target(%dma_start3A_150 : memref<128x128xf32, #tpu.memory_space<vmem>>) offsets(%dma_start3A_153 : memref<128xi32, #tpu.memory_space<vmem>>) semaphore(%arg9 : memref<!tpu.dma_semaphore, #tpu.memory_space<semaphore_mem>>)
      } else {
      }
      %mul3A_47 = arith.constant 2 : i32
      %mul3A_48 = arith.muli %mul3A_47, %add3A_38 : i32
      %add3A_49 = arith.constant 0 : i32
      %add3A_50 = arith.addi %mul3A_48, %add3A_49 : i32
      %dma_wait3A_51 = arith.constant 0 : i32
      %dma_wait3A_52 = arith.constant 0 : i32
      %dma_wait3A_53 = tpu.memref_slice %arg6[%dma_wait3A_51, %dma_wait3A_52] : memref<256x128xf32, #tpu.memory_space<vmem>> -> memref<128x128xf32, #tpu.memory_space<vmem>>
      %dma_wait3A_54 = arith.constant 0 : i32
      %dma_wait3A_55 = tpu.memref_slice %arg5[%add3A_50, %dma_wait3A_54] : memref<200x128xi32, #tpu.memory_space<vmem>> -> memref<1x128xi32, #tpu.memory_space<vmem>>
      %dma_wait3A_56 = tpu.memref_squeeze %dma_wait3A_55 : memref<1x128xi32, #tpu.memory_space<vmem>> -> memref<128xi32, #tpu.memory_space<vmem>>
      %dma_wait3A_57 = arith.constant 0 : i32
      %dma_wait3A_58 = arith.constant 0 : i32
      %dma_wait3A_59 = tpu.memref_slice %arg2[%dma_wait3A_57, %dma_wait3A_58] : memref<1000000x128xf32, #tpu.memory_space<hbm>> -> memref<1000000x128xf32, #tpu.memory_space<hbm>>
      tpu.wait_indirect_dma semaphore(%arg8 : memref<!tpu.dma_semaphore, #tpu.memory_space<semaphore_mem>>) src(%dma_wait3A_59 : memref<1000000x128xf32, #tpu.memory_space<hbm>>) dst(%dma_wait3A_53 : memref<128x128xf32, #tpu.memory_space<vmem>>)
      %mul3A_60 = arith.constant 2 : i32
      %mul3A_61 = arith.muli %mul3A_60, %add3A_38 : i32
      %add3A_62 = arith.constant 1 : i32
      %add3A_63 = arith.addi %mul3A_61, %add3A_62 : i32
      %dma_wait3A_64 = arith.constant 128 : i32
      %dma_wait3A_65 = arith.constant 0 : i32
      %dma_wait3A_66 = tpu.memref_slice %arg6[%dma_wait3A_64, %dma_wait3A_65] : memref<256x128xf32, #tpu.memory_space<vmem>> -> memref<128x128xf32, #tpu.memory_space<vmem>>
      %dma_wait3A_67 = arith.constant 0 : i32
      %dma_wait3A_68 = tpu.memref_slice %arg5[%add3A_63, %dma_wait3A_67] : memref<200x128xi32, #tpu.memory_space<vmem>> -> memref<1x128xi32, #tpu.memory_space<vmem>>
      %dma_wait3A_69 = tpu.memref_squeeze %dma_wait3A_68 : memref<1x128xi32, #tpu.memory_space<vmem>> -> memref<128xi32, #tpu.memory_space<vmem>>
      %dma_wait3A_70 = arith.constant 0 : i32
      %dma_wait3A_71 = arith.constant 0 : i32
      %dma_wait3A_72 = tpu.memref_slice %arg2[%dma_wait3A_70, %dma_wait3A_71] : memref<1000000x128xf32, #tpu.memory_space<hbm>> -> memref<1000000x128xf32, #tpu.memory_space<hbm>>
      tpu.wait_indirect_dma semaphore(%arg8 : memref<!tpu.dma_semaphore, #tpu.memory_space<semaphore_mem>>) src(%dma_wait3A_72 : memref<1000000x128xf32, #tpu.memory_space<hbm>>) dst(%dma_wait3A_66 : memref<128x128xf32, #tpu.memory_space<vmem>>)
      %mul3A_73 = arith.constant 256 : i32
      %mul3A_74 = arith.muli %add3A_38, %mul3A_73 : i32
      %add3A_75 = arith.addi %mul3A_2, %mul3A_74 : i32
      %dma_start3A_76 = arith.constant 0 : i32
      %dma_start3A_77 = tpu.memref_slice %arg4[%add3A_75, %dma_start3A_76] : memref<819200x128xf32, #tpu.memory_space<hbm>> -> memref<256x128xf32, #tpu.memory_space<hbm>>
      %dma_start3A_78 = arith.constant 0 : i32
      %dma_start3A_79 = tpu.memref_slice %arg4[%add3A_75, %dma_start3A_78] : memref<819200x128xf32, #tpu.memory_space<hbm>> -> memref<256x128xf32, #tpu.memory_space<hbm>>
      tpu.enqueue_dma source(%arg6 : memref<256x128xf32, #tpu.memory_space<vmem>>) target(%dma_start3A_79 : memref<256x128xf32, #tpu.memory_space<hbm>>) target_semaphore(%arg10 : memref<!tpu.dma_semaphore, #tpu.memory_space<semaphore_mem>>)
      %mul3A_80 = arith.constant 2 : i32
      %mul3A_81 = arith.muli %mul3A_80, %scan3A_34 : i32
      %add3A_82 = arith.constant 1 : i32
      %add3A_83 = arith.addi %mul3A_81, %add3A_82 : i32
      %ge3A_84 = arith.constant 1 : i32
      %ge3A_85 = arith.cmpi sge, %add3A_83, %ge3A_84 : i32
      %convert_element_type3A_86 = arith.extui %ge3A_85 : i1 to i32
      %cond3A_87 = arith.constant 0 : i32
      %cond3A_88 = arith.cmpi ne, %convert_element_type3A_86, %cond3A_87 : i32
      scf.if %cond3A_88 {
        %sub3A = arith.constant 1 : i32
        %sub3A_129 = arith.subi %add3A_83, %sub3A : i32
        %mul3A_130 = arith.constant 256 : i32
        %mul3A_131 = arith.muli %sub3A_129, %mul3A_130 : i32
        %add3A_132 = arith.addi %mul3A_2, %mul3A_131 : i32
        %dma_wait3A_133 = arith.constant 0 : i32
        %dma_wait3A_134 = tpu.memref_slice %arg4[%add3A_132, %dma_wait3A_133] : memref<819200x128xf32, #tpu.memory_space<hbm>> -> memref<256x128xf32, #tpu.memory_space<hbm>>
        %dma_wait3A_135 = arith.constant 0 : i32
        %dma_wait3A_136 = tpu.memref_slice %arg4[%add3A_132, %dma_wait3A_135] : memref<819200x128xf32, #tpu.memory_space<hbm>> -> memref<256x128xf32, #tpu.memory_space<hbm>>
        tpu.wait_dma2 semaphore(%arg10 : memref<!tpu.dma_semaphore, #tpu.memory_space<semaphore_mem>>) src(%arg6 : memref<256x128xf32, #tpu.memory_space<vmem>>) dst(%dma_wait3A_136 : memref<256x128xf32, #tpu.memory_space<hbm>>)
      } else {
      }
      %add3A_89 = arith.constant 1 : i32
      %add3A_90 = arith.addi %add3A_83, %add3A_89 : i32
      %lt3A_91 = arith.constant 100 : i32
      %lt3A_92 = arith.cmpi slt, %add3A_90, %lt3A_91 : i32
      %convert_element_type3A_93 = arith.extui %lt3A_92 : i1 to i32
      %cond3A_94 = arith.constant 0 : i32
      %cond3A_95 = arith.cmpi ne, %convert_element_type3A_93, %cond3A_94 : i32
      scf.if %cond3A_95 {
        %add3A_129 = arith.constant 1 : i32
        %add3A_130 = arith.addi %add3A_83, %add3A_129 : i32
        %mul3A_131 = arith.constant 2 : i32
        %mul3A_132 = arith.muli %mul3A_131, %add3A_130 : i32
        %add3A_133 = arith.constant 0 : i32
        %add3A_134 = arith.addi %mul3A_132, %add3A_133 : i32
        %dma_start3A_135 = arith.constant 0 : i32
        %dma_start3A_136 = arith.constant 0 : i32
        %dma_start3A_137 = tpu.memref_slice %arg6[%dma_start3A_135, %dma_start3A_136] : memref<256x128xf32, #tpu.memory_space<vmem>> -> memref<128x128xf32, #tpu.memory_space<vmem>>
        %dma_start3A_138 = arith.constant 0 : i32
        %dma_start3A_139 = tpu.memref_slice %arg5[%add3A_134, %dma_start3A_138] : memref<200x128xi32, #tpu.memory_space<vmem>> -> memref<1x128xi32, #tpu.memory_space<vmem>>
        %dma_start3A_140 = tpu.memref_squeeze %dma_start3A_139 : memref<1x128xi32, #tpu.memory_space<vmem>> -> memref<128xi32, #tpu.memory_space<vmem>>
        %dma_start3A_141 = arith.constant 0 : i32
        %dma_start3A_142 = arith.constant 0 : i32
        %dma_start3A_143 = tpu.memref_slice %arg2[%dma_start3A_141, %dma_start3A_142] : memref<1000000x128xf32, #tpu.memory_space<hbm>> -> memref<1000000x128xf32, #tpu.memory_space<hbm>>
        tpu.enqueue_indirect_dma source(%dma_start3A_143 : memref<1000000x128xf32, #tpu.memory_space<hbm>>) target(%dma_start3A_137 : memref<128x128xf32, #tpu.memory_space<vmem>>) offsets(%dma_start3A_140 : memref<128xi32, #tpu.memory_space<vmem>>) semaphore(%arg8 : memref<!tpu.dma_semaphore, #tpu.memory_space<semaphore_mem>>)
        %mul3A_144 = arith.constant 2 : i32
        %mul3A_145 = arith.muli %mul3A_144, %add3A_130 : i32
        %add3A_146 = arith.constant 1 : i32
        %add3A_147 = arith.addi %mul3A_145, %add3A_146 : i32
        %dma_start3A_148 = arith.constant 128 : i32
        %dma_start3A_149 = arith.constant 0 : i32
        %dma_start3A_150 = tpu.memref_slice %arg6[%dma_start3A_148, %dma_start3A_149] : memref<256x128xf32, #tpu.memory_space<vmem>> -> memref<128x128xf32, #tpu.memory_space<vmem>>
        %dma_start3A_151 = arith.constant 0 : i32
        %dma_start3A_152 = tpu.memref_slice %arg5[%add3A_147, %dma_start3A_151] : memref<200x128xi32, #tpu.memory_space<vmem>> -> memref<1x128xi32, #tpu.memory_space<vmem>>
        %dma_start3A_153 = tpu.memref_squeeze %dma_start3A_152 : memref<1x128xi32, #tpu.memory_space<vmem>> -> memref<128xi32, #tpu.memory_space<vmem>>
        %dma_start3A_154 = arith.constant 0 : i32
        %dma_start3A_155 = arith.constant 0 : i32
        %dma_start3A_156 = tpu.memref_slice %arg2[%dma_start3A_154, %dma_start3A_155] : memref<1000000x128xf32, #tpu.memory_space<hbm>> -> memref<1000000x128xf32, #tpu.memory_space<hbm>>
        tpu.enqueue_indirect_dma source(%dma_start3A_156 : memref<1000000x128xf32, #tpu.memory_space<hbm>>) target(%dma_start3A_150 : memref<128x128xf32, #tpu.memory_space<vmem>>) offsets(%dma_start3A_153 : memref<128xi32, #tpu.memory_space<vmem>>) semaphore(%arg8 : memref<!tpu.dma_semaphore, #tpu.memory_space<semaphore_mem>>)
      } else {
      }
      %mul3A_96 = arith.constant 2 : i32
      %mul3A_97 = arith.muli %mul3A_96, %add3A_83 : i32
      %add3A_98 = arith.constant 0 : i32
      %add3A_99 = arith.addi %mul3A_97, %add3A_98 : i32
      %dma_wait3A_100 = arith.constant 0 : i32
      %dma_wait3A_101 = arith.constant 0 : i32
      %dma_wait3A_102 = tpu.memref_slice %arg7[%dma_wait3A_100, %dma_wait3A_101] : memref<256x128xf32, #tpu.memory_space<vmem>> -> memref<128x128xf32, #tpu.memory_space<vmem>>
      %dma_wait3A_103 = arith.constant 0 : i32
      %dma_wait3A_104 = tpu.memref_slice %arg5[%add3A_99, %dma_wait3A_103] : memref<200x128xi32, #tpu.memory_space<vmem>> -> memref<1x128xi32, #tpu.memory_space<vmem>>
      %dma_wait3A_105 = tpu.memref_squeeze %dma_wait3A_104 : memref<1x128xi32, #tpu.memory_space<vmem>> -> memref<128xi32, #tpu.memory_space<vmem>>
      %dma_wait3A_106 = arith.constant 0 : i32
      %dma_wait3A_107 = arith.constant 0 : i32
      %dma_wait3A_108 = tpu.memref_slice %arg2[%dma_wait3A_106, %dma_wait3A_107] : memref<1000000x128xf32, #tpu.memory_space<hbm>> -> memref<1000000x128xf32, #tpu.memory_space<hbm>>
      tpu.wait_indirect_dma semaphore(%arg9 : memref<!tpu.dma_semaphore, #tpu.memory_space<semaphore_mem>>) src(%dma_wait3A_108 : memref<1000000x128xf32, #tpu.memory_space<hbm>>) dst(%dma_wait3A_102 : memref<128x128xf32, #tpu.memory_space<vmem>>)
      %mul3A_109 = arith.constant 2 : i32
      %mul3A_110 = arith.muli %mul3A_109, %add3A_83 : i32
      %add3A_111 = arith.constant 1 : i32
      %add3A_112 = arith.addi %mul3A_110, %add3A_111 : i32
      %dma_wait3A_113 = arith.constant 128 : i32
      %dma_wait3A_114 = arith.constant 0 : i32
      %dma_wait3A_115 = tpu.memref_slice %arg7[%dma_wait3A_113, %dma_wait3A_114] : memref<256x128xf32, #tpu.memory_space<vmem>> -> memref<128x128xf32, #tpu.memory_space<vmem>>
      %dma_wait3A_116 = arith.constant 0 : i32
      %dma_wait3A_117 = tpu.memref_slice %arg5[%add3A_112, %dma_wait3A_116] : memref<200x128xi32, #tpu.memory_space<vmem>> -> memref<1x128xi32, #tpu.memory_space<vmem>>
      %dma_wait3A_118 = tpu.memref_squeeze %dma_wait3A_117 : memref<1x128xi32, #tpu.memory_space<vmem>> -> memref<128xi32, #tpu.memory_space<vmem>>
      %dma_wait3A_119 = arith.constant 0 : i32
      %dma_wait3A_120 = arith.constant 0 : i32
      %dma_wait3A_121 = tpu.memref_slice %arg2[%dma_wait3A_119, %dma_wait3A_120] : memref<1000000x128xf32, #tpu.memory_space<hbm>> -> memref<1000000x128xf32, #tpu.memory_space<hbm>>
      tpu.wait_indirect_dma semaphore(%arg9 : memref<!tpu.dma_semaphore, #tpu.memory_space<semaphore_mem>>) src(%dma_wait3A_121 : memref<1000000x128xf32, #tpu.memory_space<hbm>>) dst(%dma_wait3A_115 : memref<128x128xf32, #tpu.memory_space<vmem>>)
      %mul3A_122 = arith.constant 256 : i32
      %mul3A_123 = arith.muli %add3A_83, %mul3A_122 : i32
      %add3A_124 = arith.addi %mul3A_2, %mul3A_123 : i32
      %dma_start3A_125 = arith.constant 0 : i32
      %dma_start3A_126 = tpu.memref_slice %arg4[%add3A_124, %dma_start3A_125] : memref<819200x128xf32, #tpu.memory_space<hbm>> -> memref<256x128xf32, #tpu.memory_space<hbm>>
      %dma_start3A_127 = arith.constant 0 : i32
      %dma_start3A_128 = tpu.memref_slice %arg4[%add3A_124, %dma_start3A_127] : memref<819200x128xf32, #tpu.memory_space<hbm>> -> memref<256x128xf32, #tpu.memory_space<hbm>>
      tpu.enqueue_dma source(%arg7 : memref<256x128xf32, #tpu.memory_space<vmem>>) target(%dma_start3A_128 : memref<256x128xf32, #tpu.memory_space<hbm>>) target_semaphore(%arg11 : memref<!tpu.dma_semaphore, #tpu.memory_space<semaphore_mem>>)
    }
    %scan3A_28 = arith.constant 50 : i32
    %add3A_29 = arith.constant 25344 : i32
    %add3A_30 = arith.addi %mul3A_2, %add3A_29 : i32
    %dma_wait3A = arith.constant 0 : i32
    %dma_wait3A_31 = tpu.memref_slice %arg4[%add3A_30, %dma_wait3A] : memref<819200x128xf32, #tpu.memory_space<hbm>> -> memref<256x128xf32, #tpu.memory_space<hbm>>
    %dma_wait3A_32 = arith.constant 0 : i32
    %dma_wait3A_33 = tpu.memref_slice %arg4[%add3A_30, %dma_wait3A_32] : memref<819200x128xf32, #tpu.memory_space<hbm>> -> memref<256x128xf32, #tpu.memory_space<hbm>>
    tpu.wait_dma2 semaphore(%arg11 : memref<!tpu.dma_semaphore, #tpu.memory_space<semaphore_mem>>) src(%arg7 : memref<256x128xf32, #tpu.memory_space<vmem>>) dst(%dma_wait3A_33 : memref<256x128xf32, #tpu.memory_space<hbm>>)
    return
  }
}

</mosaic_0001>

<sc_bundles>
// kernel: kernel.3.cloned.1.call-start
scs
__scs_entry_jumppad:
0x0: {  	(pc) =	sbr.rel $0x88, $3  }
0x1: {  	(tag) =	ssettag $0x0;
	lr =	simm.s32 $0x1  }
0x2: {  	[smem:$0x3F9F] =	sst lr;
	_ =	strace $0xD0000000  }
0x3: {  	_ = 	snop  }
0x4: {  	_ = 	snop  }
0x5: {  	_ = 	snop  }
0x6: {  	_ = 	snop  }
0x7: {  	_ = 	snop  }
__scs_overlays_trampoline_lowered:
0x8: {  	[smem:$0x3FAE] =	sst s0  }
0x9: {  	[smem:$0x3FAF] =	sst s1  }
0xa: {  	[smem:$0x3FB0] =	sst s2  }
0xb: {  	[smem:$0x3FB1] =	sst s3  }
0xc: {  	[smem:$0x3FB2] =	sst s4  }
0xd: {  	[smem:$0x3FB3] =	sst s5  }
0xe: {  	[smem:$0x3FB4] =	sst s6  }
0xf: {  	[smem:$0x3FB5] =	sst s7  }
0x10: {  	[smem:$0x3FB6] =	sst s8  }
0x11: {  	[smem:$0x3FB7] =	sst s9;
	s0 =	simm.s32 @!p0 $0x0  }
0x12: {  	s1 =	sld [smem:$0x3F9D];
	s0 =	simm.s32 @p0 $0x1  }
0x13: {  	[smem:$0x3FB8] =	sst s0;
	s0 =	simm.s32 @!p1 $0x0  }
0x14: {  	s2 =	sld [smem:$0x3F9C];
	s0 =	simm.s32 @p1 $0x1  }
0x15: {  	[smem:$0x3FB9] =	sst s0;
	s0 =	simm.s32 @!p2 $0x0  }
0x16: {  	s3 =	sld [smem:$0x3FDB];
	s0 =	simm.s32 @p2 $0x1  }
0x17: {  	s4 =	simm.s32 $0x1BF5;
	[smem:$0x3FBB] =	sst s0  }
0x18: {  	s0 =	sld [smem:$0x3F9E];
	_ =	swait.ge [sflag:s4], $0x0  }
0x19: {  	s7 =	sld [smem:$0x3F9F]  }
0x1a: {  	s8 =	sadd.s32 $0xFFFFE003, lr  }
0x1b: {  	s9 =	sadd.s32 $0xFFFFFEF7, lr;
	s5 =	simm.s32 $0xFFFFFFFF;
	p2 =	slt.u32 s8, $0xFFFFF086  }
0x1c: {  	p1 =	slt.u32 s9, $0xF7A;
	s5 =	simm.s32 @!p2 $0x0  }
0x1d: {  	s5 =	simm.s32 @p1 $0x1;
	p0 =	seq.s32 s7, s2  }
0x1e: {  	s7 =	smul.u32 @!p0 $0xF7A, s2;
	p2 =	seq.s32 @!p0 s5, $0x0  }
0x1f: {  	s9 =	smul.u32 $0xF7A, s1;
	s8 =	simm.s32 @!p0 $0x1BF5;
	p2 =	por !p2, p0  }
0x20: {  	[sflag:s8] =	ssyncset.s32 @!p0 $0xFFFFF086;
	s6 =	sadd.s32 @!p0 s3, s7;
	s7 =	simm.s32 @!p0 $0x108  }
0x21: {  	s3 =	sadd.s32 s3, s9;
	s6 =	sadd.s32 @!p0 $0x88, s6;
	s7 =	simm.s32 @p2 $0x1082  }
0x22: {  	[simem:s7], [sflag:s8] =	dma.local @!p0 [hbm:s6], $0xF7A  }
0x23: {  	s9 =	sor.u32 $0xD0000000, s2;
	s6 =	simm.s32 $0x108;
	_ =	swait.ge @!p0 [sflag:s8], $0x0  }
0x24: {  	s3 =	sadd.s32 $0x88, s3;
	s6 =	simm.s32 @!p1 $0x1082;
	[sflag:s4] =	ssyncset.s32 $0xFFFFF086  }
0x25: {  	[simem:s6], [sflag:s4] =	dma.local [hbm:s3], $0xF7A  }
0x26: {  	[smem:$0x3F9F] =	sst s1;
	(tag) =	ssettag s2;
	_ =	strace s9  }
0x27: {  	s1 =	sld [smem:$0x3FAF]  }
0x28: {  	s2 =	sld [smem:$0x3FB0]  }
0x29: {  	s4 =	sld [smem:$0x3FB2]  }
0x2a: {  	p0 =	seq.s32 s5, $0x0;
	s5 =	sld [smem:$0x3FB3]  }
0x2b: {  	s6 =	sld [smem:$0x3FB4]  }
0x2c: {  	s7 =	sld [smem:$0x3FB5]  }
0x2d: {  	s3 =	simm.s32 $0x108;
	s8 =	sld [smem:$0x3FB6]  }
0x2e: {  	s3 =	simm.s32 @!p0 $0x1082;
	s9 =	sld [smem:$0x3FB7]  }
0x2f: {  	lr =	sadd.s32 s0, s3;
	s0 =	sld [smem:$0x3FAE]  }
0x30: {  	s3 =	sld [smem:$0x3FB1]  }
0x31: {  	[smem:$0x3FBA] =	sst s10  }
0x32: {  	s10 =	sld [smem:$0x3FB8];
	_ =	sdelay $0x3  }
0x33: {  	p0 =	seq.s32 s10, $0x1;
	s10 =	sld [smem:$0x3FBA];
	_ =	sdelay $0x3  }
0x34: {  	[smem:$0x3FBA] =	sst s10  }
0x35: {  	s10 =	sld [smem:$0x3FB9];
	_ =	sdelay $0x3  }
0x36: {  	p1 =	seq.s32 s10, $0x1;
	s10 =	sld [smem:$0x3FBA];
	_ =	sdelay $0x3  }
0x37: {  	[smem:$0x3FBA] =	sst s10  }
0x38: {  	s10 =	sld [smem:$0x3FBB]  }
0x39: {  	_ = 	snop;
	(pc) =	sbr.ind lr, $3  }
0x3a: {  	_ = 	snop  }
0x3b: {  	_ = 	snop  }
0x3c: {  	p2 =	seq.s32 s10, $0x1;
	s10 =	sld [smem:$0x3FBA]  }
0x3d: {  	_ =	shalt  }
0x3e: {  	_ =	shalt  }
0x3f: {  	_ =	shalt  }
0x40: {  	_ =	shalt  }
0x41: {  	_ =	shalt  }
0x42: {  	_ =	shalt  }
0x43: {  	_ =	shalt  }
0x44: {  	_ =	shalt  }
0x45: {  	_ =	shalt  }
0x46: {  	_ =	shalt  }
0x47: {  	_ =	shalt  }
0x48: {  	_ =	shalt  }
0x49: {  	_ =	shalt  }
0x4a: {  	_ =	shalt  }
0x4b: {  	_ =	shalt  }
0x4c: {  	_ =	shalt  }
0x4d: {  	_ =	shalt  }
0x4e: {  	_ =	shalt  }
0x4f: {  	_ =	shalt  }
0x50: {  	_ =	shalt  }
0x51: {  	_ =	shalt  }
0x52: {  	_ =	shalt  }
0x53: {  	_ =	shalt  }
0x54: {  	_ =	shalt  }
0x55: {  	_ =	shalt  }
0x56: {  	_ =	shalt  }
0x57: {  	_ =	shalt  }
0x58: {  	_ =	shalt  }
0x59: {  	_ =	shalt  }
0x5a: {  	_ =	shalt  }
0x5b: {  	_ =	shalt  }
0x5c: {  	_ =	shalt  }
0x5d: {  	_ =	shalt  }
0x5e: {  	_ =	shalt  }
0x5f: {  	_ =	shalt  }
0x60: {  	_ =	shalt  }
0x61: {  	_ =	shalt  }
0x62: {  	_ =	shalt  }
0x63: {  	_ =	shalt  }
0x64: {  	_ =	shalt  }
0x65: {  	_ =	shalt  }
0x66: {  	_ =	shalt  }
0x67: {  	_ =	shalt  }
0x68: {  	_ =	shalt  }
0x69: {  	_ =	shalt  }
0x6a: {  	_ =	shalt  }
0x6b: {  	_ =	shalt  }
0x6c: {  	_ =	shalt  }
0x6d: {  	_ =	shalt  }
0x6e: {  	_ =	shalt  }
0x6f: {  	_ =	shalt  }
0x70: {  	_ =	shalt  }
0x71: {  	_ =	shalt  }
0x72: {  	_ =	shalt  }
0x73: {  	_ =	shalt  }
0x74: {  	_ =	shalt  }
0x75: {  	_ =	shalt  }
0x76: {  	_ =	shalt  }
0x77: {  	_ =	shalt  }
0x78: {  	_ =	shalt  }
0x79: {  	_ =	shalt  }
0x7a: {  	_ =	shalt  }
0x7b: {  	_ =	shalt  }
0x7c: {  	_ =	shalt  }
0x7d: {  	_ =	shalt  }
0x7e: {  	_ =	shalt  }
0x7f: {  	_ =	shalt  }
0x80: {  	_ =	shalt  }
0x81: {  	_ =	shalt  }
0x82: {  	_ =	shalt  }
0x83: {  	_ =	shalt  }
0x84: {  	_ =	shalt  }
0x85: {  	_ =	shalt  }
0x86: {  	_ =	shalt  }
0x87: {  	_ =	shalt  }
.Lfunc_end0:
.L_simem_size_0:
called_computation_lowered:
.L_overlay_start_0:
0x88: {  	s2 =	sld [smem:$0x3FD9]  }
0x89: {  	s3 =	sld [smem:$0x3FFE];
	_ =	sdelay $0x1  }
0x8a: {  	s1 =	srdreg.scid  }
0x8b: {  	s0 =	sand.u32 $0x1, s1  }
0x8c: {  	s18 =	sshll.u32 s0, $0xA;
	s2 =	sadd.s32 s3, s2  }
0x8d: {  	s2 =	sadd.s32 s2, s18  }
0x8e: {  	[smem:$0x3FC6] =	sst s2  }
0x8f: {  	_ = 	snop  }
0x90: {  	s2 =	sld [smem:$0x3FC9]  }
0x91: {  	s19 =	sld [smem:$0x3FC8]  }
0x92: {  	s4 =	sld [smem:$0x3FD0];
	(tm) =	ssettm $0x1  }
0x93: {  	s5 =	sld [smem:$0x3FFB];
	_ =	sdelay $0x3  }
0x94: {  	_ =	strace s5  }
0x95: {  	s5 =	sld [smem:$0x3FFC];
	_ =	sdelay $0x3  }
0x96: {  	_ =	strace s5  }
0x97: {  	s5 =	sld [smem:$0x3FFD];
	_ =	sdelay $0x3  }
0x98: {  	_ =	strace s5  }
0x99: {  	_ =	strace $0x8FFFFFFF  }
0x9a: {  	s20 =	sld [smem:$0x3FDB];
	_ =	sdelay $0x1  }
0x9b: {  	s6 =	simm.s32 $_scs_section_size  }
0x9c: {  	s7 =	simm.s32 $_size__tile_overlayer_lowered;
	s8 =	simm.s32 $_tile_overlayer_lowered  }
0x9d: {  	s23 =	simm.s32 $0x1BFF;
	s22 =	sshll.u32 s8, $0x1;
	s5 =	sadd.s32 s6, s20  }
0x9e: {  	s9 =	simm.s32 $0x0;
	s21 =	sshll.u32 s7, $0x1;
	s7 =	sadd.s32 s22, s5  }
0x9f: {  	[timem:s9], [sflag:s23] =	dma.local [hbm:s7], s21  }
0xa0: {  	_ =	swait.ge [sflag:s23], s21  }
0xa1: {  	s6 =	ssub.s32 $0x0, s21;
	[sflag:s23] =	ssyncset.done $0x0  }
0xa2: {  	[sflag:s23] =	ssyncadd.s32 s6;
	_ =	sdelay $0x1  }
0xa3: {  	s24 =	simm.s32 $0x1B8B  }
0xa4: {  	_ =	swait.ge [sflag:s24], $0x1  }
0xa5: {  	[sflag:s24] =	ssyncset.done $0x0  }
0xa6: {  	s25 =	simm.s32 $0x1B8E;
	[sflag:s24] =	ssyncadd.s32 $0xFFFFFFFF  }
0xa7: {  	s26 =	simm.s32 $execute0_lowered;
	[smem:$0x3FD2] =	sst s25  }
0xa8: {  	s6 =	sshll.u32 s26, $0x1;
	_ =	strace $0x80000046;
	[dreg:$0x1] =	wrdreg $0xFFFFFFFF  }
0xa9: {  	s28 =	simm.s32 $_size_execute0_lowered;
	s5 =	sadd.s32 s5, s6;
	[dreg:$0x0] =	wrdreg $0x0  }
0xaa: {  	s6 =	sshll.u32 s28, $0x1;
	[dreg:$0x2] =	wrdreg s5  }
0xab: {  	[dreg:$0x3] =	wrdreg s6  }
0xac: {  	[dreg:$0x4] =	wrdreg $0xC0  }
0xad: {  	_ =	task [dreg:s9], $0x5FFFF  }
0xae: {  	[dreg:$0x1] =	wrdreg $0xFFFFFFFF  }
0xaf: {  	[dreg:$0x0] =	wrdreg $0x60  }
0xb0: {  	[dreg:$0x2] =	wrdreg s19  }
0xb1: {  	[dreg:$0x3] =	wrdreg s2  }
0xb2: {  	[dreg:$0x4] =	wrdreg s4  }
0xb3: {  	[dreg:$0x5] =	wrdreg $0x9  }
0xb4: {  	_ =	task.clear_ibuf [dreg:s9], $0x6FFFF;
	_ =	strace $0x90000046  }
0xb5: {  	s29 =	simm.s32 $0x9;
	_ =	strace $0x80000048  }
0xb6: {  	_ =	swait.ge [sflag:s29], $0x1  }
0xb7: {  	[sflag:s29] =	ssyncadd.s32 $0xFFFFFFFF  }
0xb8: {  	_ =	strace $0x90000048  }
0xb9: {  	_ =	sfence  }
0xba: {  	s30 =	sld [smem:$0x0];
	_ =	sdelay $0x2  }
0xbb: {  	s31 =	sshll.u32 s1, $0xD;
	s1 =	sshrl.u32 s1, $0x2  }
0xbc: {  	s3 =	sand.u32 $0x4000, s31;
	s1 =	sadd.s32 s1, s30  }
0xbd: {  	s0 =	sor.u32 s3, s0;
	s1 =	sshll.u32 s1, $0x11  }
0xbe: {  	s0 =	sor.u32 s1, s0  }
0xbf: {  	s0 =	sadd.s32 $0x8F2B, s0  }
0xc0: {  	[sflag:s0] =	ssyncadd.remote.s32 $0x1  }
0xc1: {  	_ =	sfence.sel $0xFFFF  }
0xc2: {  	[dreg:$0x0] =	wrdreg $0xFFFFFFFF;
	(pc) =	sbr.abs _section_cstart, $3  }
0xc3: {  	[dreg:$0x1] =	wrdreg $0xFFFFFFFF  }
0xc4: {  	_ =	task.clear_ibuf [dreg:s9], $0x2FFFF;
	_ =	strace $0x9FFFFFFF  }
0xc5: {  	(tm) =	ssettm $0x7FFFFFFF  }
tec
execute0_lowered:
.L_overlay_start_1:
0x0: {  	(tag) =	ssettag $0x1  }
0x1: {  	s1 =	rddreg [dreg:$0x0]  }
0x2: {  	s0 =	srdreg.scid;
	s4 =	rddreg [dreg:$0x1]  }
0x3: {  	s7 =	stileid.u32;
	s11 =	rddreg [dreg:$0x2]  }
0x4: {  	s3 =	simm.s32 $0x0;
	s12 =	simm.s32 $0x5;
	s13 =	simm.s32 $0x80  }
0x5: {  	s14 =	simm.s32 $0x6400;
	s15 =	simm.s32 $0xA400;
	s17 =	simm.s32 $0xE400  }
0x6: {  	s19 =	simm.s32 $0x12400;
	s20 =	simm.s32 $0x1;
	s21 =	simm.s32 $0x3  }
0x7: {  	s22 =	simm.s32 $0x200;
	s23 =	simm.s32 $0x280;
	s24 =	simm.s32 $0x2  }
0x8: {  	s0 =	sand.u32 $0x1, s0;
	s2 =	sshll.u32 s7, $0x1;
	s7 =	smul.u32 $0x640000, s7  }
0x9: {  	s2 =	sor.u32 s0, s2;
	s6 =	ssub.s32 $0x2, s0;
	s0 =	smul.u32 $0x320000, s0  }
0xa: {  	s25 =	simm.s32 $0x4;
	s26 =	simm.s32 $0x6300;
	s5 =	smul.u32 $0xC80, s2  }
0xb: {  	s28 =	simm.s32 $0x6380;
	[smem:$0x7FF] =	sst s3;
	s2 =	smul.u32 $0x320000, s2  }
0xc: {  	s29 =	simm.s32 $0x0;
	_ =	strace $0x80000047;
	s8 =	sshrl.u32 s6, $0x1  }
0xd: {  	s6 =	ssub.s32 s6, s8;
	s0 =	sadd.s32 s0, s7;
	s2 =	sshrl.u32 s2, $0x3  }
0xe: {  	s4 =	sadd.s32 s4, s5;
	s6 =	smax.u32 s6, $0x1;
	s31 =	sor.u32 $0x10000, s0  }
0xf: {  	s0 =	sor.u32 $0x18000, s0;
	s5 =	sadd.s32 s11, s2;
	s2 =	sshrl.u32 s31, $0x3  }
0x10: {  	s0 =	sshrl.u32 s0, $0x3;
	s7 =	sadd.s32 $0x1000, s5;
	s8 =	sadd.s32 $0x62000, s5  }
0x11: {  	s9 =	sadd.s32 $0x63000, s5;
	s10 =	sadd.s32 s2, s11;
	s0 =	sadd.s32 s0, s11  }
.LBB2_1:
0x12: {  	[tilespmem:s3], [sflag:$0x5] =	stream.linear.gather [hbm4b:s4+s3], $0x6400, $0x38;
	[tilespmem:$0x16400] =	vst v63  }
0x13: {  	_ =	swait.ge [sflag:s12], $0x6400  }
0x14: {  	[sflag:s12] =	ssyncset.done $0x0  }
0x15: {  	[sflag:s12] =	ssyncadd.s32 $0xFFFF9C00  }
0x16: {  	[tilespmem:s14], [sflag:$0x1] =	stream.indirect.gather [hbm4b:s1+s13], $0x80, s3, s13, $0xb8;
	[tilespmem:$0x16400] =	vst v63  }
0x17: {  	_ = 	snop  }
0x18: {  	[tilespmem:s15], [sflag:$0x1] =	stream.indirect.gather [hbm4b:s1+s13], $0x80, s13, s13, $0xb8;
	[tilespmem:$0x16400] =	vst v63  }
0x19: {  	s2 =	simm.s32 $0x100  }
0x1a: {  	[tilespmem:s17], [sflag:$0x2] =	stream.indirect.gather [hbm4b:s1+s13], $0x80, s2, s13, $0xb8;
	[tilespmem:$0x16400] =	vst v63  }
0x1b: {  	s16 =	simm.s32 $0x180  }
0x1c: {  	[tilespmem:s19], [sflag:$0x2] =	stream.indirect.gather [hbm4b:s1+s13], $0x80, s16, s13, $0xb8;
	[tilespmem:$0x16400] =	vst v63  }
0x1d: {  	_ =	swait.ge [sflag:s20], $0x4000  }
0x1e: {  	[sflag:s20] =	ssyncset.done $0x0  }
0x1f: {  	[sflag:s20] =	ssyncadd.s32 $0xFFFFC000  }
0x20: {  	_ =	swait.ge [sflag:s20], $0x4000  }
0x21: {  	[sflag:s20] =	ssyncset.done $0x0  }
0x22: {  	[sflag:s20] =	ssyncadd.s32 $0xFFFFC000  }
0x23: {  	[hbm4b:s5+s3] =	stream.linear.scatter [tilespmem:s14], [sflag:$0x3], $0x8000, $0x38;
	[tilespmem:$0x16400] =	vst v63  }
0x24: {  	_ =	swait.ge [sflag:s21], $0x8000  }
0x25: {  	[sflag:s21] =	ssyncset.done $0x0  }
0x26: {  	[sflag:s21] =	ssyncadd.s32 $0xFFFF8000  }
0x27: {  	[tilespmem:s14], [sflag:$0x1] =	stream.indirect.gather [hbm4b:s1+s13], $0x80, s22, s13, $0xb8;
	[tilespmem:$0x16400] =	vst v63  }
0x28: {  	_ = 	snop  }
0x29: {  	[tilespmem:s15], [sflag:$0x1] =	stream.indirect.gather [hbm4b:s1+s13], $0x80, s23, s13, $0xb8;
	[tilespmem:$0x16400] =	vst v63  }
0x2a: {  	_ =	swait.ge [sflag:s24], $0x4000  }
0x2b: {  	[sflag:s24] =	ssyncset.done $0x0  }
0x2c: {  	[sflag:s24] =	ssyncadd.s32 $0xFFFFC000  }
0x2d: {  	_ =	swait.ge [sflag:s24], $0x4000  }
0x2e: {  	[sflag:s24] =	ssyncset.done $0x0  }
0x2f: {  	[sflag:s24] =	ssyncadd.s32 $0xFFFFC000  }
0x30: {  	[hbm4b:s7+s3] =	stream.linear.scatter [tilespmem:s17], [sflag:$0x4], $0x8000, $0x38;
	[tilespmem:$0x16400] =	vst v63  }
0x31: {  	_ =	swait.ge [sflag:s25], $0x8000  }
0x32: {  	[sflag:s25] =	ssyncset.done $0x0  }
0x33: {  	s18 =	simm.s32 $0x300;
	[sflag:s25] =	ssyncadd.s32 $0xFFFF8000  }
0x34: {  	[tilespmem:s17], [sflag:$0x2] =	stream.indirect.gather [hbm4b:s1+s13], $0x80, s18, s13, $0xb8;
	[tilespmem:$0x16400] =	vst v63  }
0x35: {  	s11 =	simm.s32 $0x380  }
0x36: {  	[tilespmem:s19], [sflag:$0x2] =	stream.indirect.gather [hbm4b:s1+s13], $0x80, s11, s13, $0xb8;
	[tilespmem:$0x16400] =	vst v63  }
0x37: {  	_ =	swait.ge [sflag:s20], $0x4000  }
0x38: {  	[sflag:s20] =	ssyncset.done $0x0  }
0x39: {  	[sflag:s20] =	ssyncadd.s32 $0xFFFFC000  }
0x3a: {  	_ =	swait.ge [sflag:s20], $0x4000  }
0x3b: {  	[sflag:s20] =	ssyncset.done $0x0  }
0x3c: {  	[sflag:s20] =	ssyncadd.s32 $0xFFFFC000  }
0x3d: {  	[hbm4b:s10+s3] =	stream.linear.scatter [tilespmem:s14], [sflag:$0x3], $0x8000, $0x38;
	[tilespmem:$0x16400] =	vst v63  }
0x3e: {  	_ =	swait.ge [sflag:s21], $0x8000  }
0x3f: {  	[sflag:s21] =	ssyncset.done $0x0  }
0x40: {  	s16 =	simm.s32 $0x400;
	[sflag:s21] =	ssyncadd.s32 $0xFFFF8000  }
0x41: {  	[tilespmem:s14], [sflag:$0x1] =	stream.indirect.gather [hbm4b:s1+s13], $0x80, s16, s13, $0xb8;
	[tilespmem:$0x16400] =	vst v63  }
0x42: {  	s18 =	simm.s32 $0x480  }
0x43: {  	[tilespmem:s15], [sflag:$0x1] =	stream.indirect.gather [hbm4b:s1+s13], $0x80, s18, s13, $0xb8;
	[tilespmem:$0x16400] =	vst v63  }
0x44: {  	_ =	swait.ge [sflag:s24], $0x4000  }
0x45: {  	[sflag:s24] =	ssyncset.done $0x0  }
0x46: {  	[sflag:s24] =	ssyncadd.s32 $0xFFFFC000  }
0x47: {  	_ =	swait.ge [sflag:s24], $0x4000  }
0x48: {  	s30 =	simm.s32 $0x800;
	s31 =	sadd.s32 $0x2000, s10;
	[sflag:s24] =	ssyncset.done $0x0  }
0x49: {  	s2 =	sadd.s32 $0x2000, s0;
	s11 =	smov.u32 s0;
	[sflag:s24] =	ssyncadd.s32 $0xFFFFC000  }
.LBB2_2:
0x4a: {  	[hbm4b:s11+s3] =	stream.linear.scatter [tilespmem:s17], [sflag:$0x4], $0x8000, $0x38;
	[tilespmem:$0x16400] =	vst v63  }
0x4b: {  	s16 =	smov.u32 s30;
	s11 =	smov.u32 s2  }
0x4c: {  	p0 =	sne.s32 s30, $0x17800;
	s30 =	sadd.s32 $0x800, s30;
	_ =	swait.ge [sflag:s25], $0x8000  }
0x4d: {  	s16 =	sshra.s32 s16, $0x2;
	[sflag:s25] =	ssyncset.done $0x0  }
0x4e: {  	s18 =	sadd.s32 $0x300, s16;
	[sflag:s25] =	ssyncadd.s32 $0xFFFF8000  }
0x4f: {  	[tilespmem:s17], [sflag:$0x2] =	stream.indirect.gather [hbm4b:s1+s13], $0x80, s18, s13, $0xb8;
	[tilespmem:$0x16400] =	vst v63  }
0x50: {  	s18 =	sadd.s32 $0x380, s16  }
0x51: {  	[tilespmem:s19], [sflag:$0x2] =	stream.indirect.gather [hbm4b:s1+s13], $0x80, s18, s13, $0xb8;
	[tilespmem:$0x16400] =	vst v63  }
0x52: {  	_ =	swait.ge [sflag:s20], $0x4000  }
0x53: {  	[sflag:s20] =	ssyncset.done $0x0  }
0x54: {  	[sflag:s20] =	ssyncadd.s32 $0xFFFFC000  }
0x55: {  	_ =	swait.ge [sflag:s20], $0x4000  }
0x56: {  	[sflag:s20] =	ssyncset.done $0x0  }
0x57: {  	[sflag:s20] =	ssyncadd.s32 $0xFFFFC000  }
0x58: {  	[hbm4b:s31+s3] =	stream.linear.scatter [tilespmem:s14], [sflag:$0x3], $0x8000, $0x38;
	[tilespmem:$0x16400] =	vst v63  }
0x59: {  	_ =	swait.ge [sflag:s21], $0x8000  }
0x5a: {  	[sflag:s21] =	ssyncset.done $0x0  }
0x5b: {  	s18 =	sadd.s32 $0x400, s16;
	[sflag:s21] =	ssyncadd.s32 $0xFFFF8000  }
0x5c: {  	[tilespmem:s14], [sflag:$0x1] =	stream.indirect.gather [hbm4b:s1+s13], $0x80, s18, s13, $0xb8;
	[tilespmem:$0x16400] =	vst v63  }
0x5d: {  	s16 =	sadd.s32 $0x480, s16  }
0x5e: {  	[tilespmem:s15], [sflag:$0x1] =	stream.indirect.gather [hbm4b:s1+s13], $0x80, s16, s13, $0xb8;
	[tilespmem:$0x16400] =	vst v63  }
0x5f: {  	_ =	swait.ge [sflag:s24], $0x4000  }
.Ltmp0:
0x60: {  	[sflag:s24] =	ssyncset.done $0x0;
	(pc) =	sbr.rel @p0 .LBB2_2-.Ltmp0, $4  }
0x61: {  	[sflag:s24] =	ssyncadd.s32 $0xFFFFC000  }
0x62: {  	_ =	swait.ge [sflag:s24], $0x4000  }
0x63: {  	[sflag:s24] =	ssyncset.done $0x0  }
0x64: {  	s2 =	sadd.s32 $0x2000, s2;
	s31 =	sadd.s32 $0x2000, s31;
	[sflag:s24] =	ssyncadd.s32 $0xFFFFC000  }
0x65: {  	[hbm4b:s11+s3] =	stream.linear.scatter [tilespmem:s17], [sflag:$0x4], $0x8000, $0x38;
	[tilespmem:$0x16400] =	vst v63  }
0x66: {  	_ =	swait.ge [sflag:s25], $0x8000  }
0x67: {  	[sflag:s25] =	ssyncset.done $0x0  }
0x68: {  	[sflag:s25] =	ssyncadd.s32 $0xFFFF8000  }
0x69: {  	[tilespmem:s17], [sflag:$0x2] =	stream.indirect.gather [hbm4b:s1+s13], $0x80, s26, s13, $0xb8;
	[tilespmem:$0x16400] =	vst v63  }
0x6a: {  	_ = 	snop  }
0x6b: {  	[tilespmem:s19], [sflag:$0x2] =	stream.indirect.gather [hbm4b:s1+s13], $0x80, s28, s13, $0xb8;
	[tilespmem:$0x16400] =	vst v63  }
0x6c: {  	_ =	swait.ge [sflag:s20], $0x4000  }
0x6d: {  	[sflag:s20] =	ssyncset.done $0x0  }
0x6e: {  	[sflag:s20] =	ssyncadd.s32 $0xFFFFC000  }
0x6f: {  	_ =	swait.ge [sflag:s20], $0x4000  }
0x70: {  	[sflag:s20] =	ssyncset.done $0x0  }
0x71: {  	[sflag:s20] =	ssyncadd.s32 $0xFFFFC000  }
0x72: {  	[hbm4b:s8+s3] =	stream.linear.scatter [tilespmem:s14], [sflag:$0x3], $0x8000, $0x38;
	[tilespmem:$0x16400] =	vst v63  }
0x73: {  	_ =	swait.ge [sflag:s21], $0x8000  }
0x74: {  	[sflag:s21] =	ssyncset.done $0x0  }
0x75: {  	[sflag:s21] =	ssyncadd.s32 $0xFFFF8000  }
0x76: {  	_ =	swait.ge [sflag:s24], $0x4000  }
0x77: {  	[sflag:s24] =	ssyncset.done $0x0  }
0x78: {  	[sflag:s24] =	ssyncadd.s32 $0xFFFFC000  }
0x79: {  	s29 =	sadd.s32 $0x1, s29;
	_ =	swait.ge [sflag:s24], $0x4000  }
0x7a: {  	p0 =	sne.s32 s29, s6;
	[sflag:s24] =	ssyncset.done $0x0  }
.Ltmp1:
0x7b: {  	[sflag:s24] =	ssyncadd.s32 $0xFFFFC000;
	(pc) =	sbr.rel @p0 .LBB2_1-.Ltmp1, $4  }
0x7c: {  	[hbm4b:s9+s3] =	stream.linear.scatter [tilespmem:s17], [sflag:$0x4], $0x8000, $0x38;
	[tilespmem:$0x16400] =	vst v63  }
0x7d: {  	_ =	swait.ge [sflag:s25], $0x8000  }
0x7e: {  	[sflag:s25] =	ssyncset.done $0x0  }
0x7f: {  	[sflag:s25] =	ssyncadd.s32 $0xFFFF8000  }
0x80: {  	_ =	sfence.sel $0x180000  }
0x81: {  	[bflag:$0x0] =	sbarrier.arrive $0xFFFF  }
0x82: {  	_ =	strace $0x90000047  }
0x83: {  	s0 =	stileid.u32;
	[bflag:$0x2] =	sbarrier.arrive $0xFFFF  }
0x84: {  	p0 =	sne.s32 s0, $0x0;
	s0 =	rddreg [dreg:$0x3]  }
0x85: {  	s0 =	sadd.s32 @!p0 $0x100000, s0  }
0x86: {  	[sflag:s0] =	ssyncadd.tile.s32 @!p0 $0x1;
	_ =	shalt  }
.Lfunc_end2:
_tile_overlayer_lowered:
.L_overlay_start_2:
0x87: {  	(tag) =	ssettag $0x2  }
0x88: {  	s0 =	rddreg [dreg:$0x0];
	s2 =	stileid.u32  }
0x89: {  	s1 =	rddreg [dreg:$0x1];
	p0 =	sne.s32 s2, $0x0  }
0x8a: {  	s3 =	rddreg [dreg:$0x2];
	[bflag:$0x3] =	sbarrier.arrive $0xFFFF;
	s2 =	simm.s32 @!p0 $0x1C05  }
0x8b: {  	[timem:s3], [sflag:s2] =	dma.local @!p0 [hbm:s0], s1  }
0x8c: {  	s0 =	simm.s32 @!p0 $0x5  }
0x8d: {  	_ =	swait.ge @!p0 [sflag:s0], s1  }
0x8e: {  	s1 =	ssub.s32 @!p0 $0x0, s1;
	[sflag:s0] =	ssyncset.done @!p0 $0x0  }
0x8f: {  	[sflag:s0] =	ssyncadd.s32 @!p0 s1  }
0x90: {  	[bflag:$0x3] =	sbarrier.arrive $0xFFFF  }
0x91: {  	_ =	shalt  }

</sc_bundles>
